<compile_context>
chip_gen: v7x
topology: tpu7x:2x2x1
jax: 0.10.2.dev20260603
libtpu: 0.0.44.dev20260713+nightly
codegen_flags: <defaults>
</compile_context>

<pallas_src>
import functools

import jax
import jax.numpy as jnp
from jax import lax
from jax.experimental import pallas as pl
from jax.experimental.pallas import tpu as pltpu
from jax.experimental.pallas import tpu_sc as plsc


_KC = 128


def _argmin_body(x_ref, emb_ref, idx_ref, ea_ref):
    bb, ww, hh, cc = x_ref.shape
    x = x_ref[...].reshape(bb * ww * hh, cc)
    tb = x.shape[0]
    k = emb_ref.shape[0]

    e = emb_ref[...]
    norms = jnp.sum(e * e, axis=1, keepdims=True)
    ea_ref[...] = jnp.concatenate([-2.0 * e, norms], axis=1)

    xa = jnp.concatenate([x, jnp.ones((tb, 1), jnp.float32)], axis=1)
    m = jnp.full((1, tb), jnp.inf, jnp.float32)
    idx = jnp.zeros((1, tb), jnp.int32)
    for kc in range(k // _KC):
        ea = ea_ref[pl.ds(kc * _KC, _KC), :]
        scores = lax.dot_general(ea, xa, (((1,), (1,)), ((), ())),
                                 precision=lax.Precision.HIGHEST,
                                 preferred_element_type=jnp.float32)
        m_c = jnp.min(scores, axis=0, keepdims=True)
        k_iota = lax.broadcasted_iota(jnp.int32, scores.shape, 0) + kc * _KC
        i_c = jnp.min(jnp.where(scores <= m_c, k_iota, jnp.int32(k)),
                      axis=0, keepdims=True)
        upd = m_c < m
        idx = jnp.where(upd, i_c, idx)
        m = jnp.where(upd, m_c, m)
    idx_ref[...] = idx


def _nearest_indices(input4d, embedding):
    b, w, h, c = input4d.shape
    n = b * w * h
    k = embedding.shape[0]
    return pl.pallas_call(
        _argmin_body,
        out_shape=jax.ShapeDtypeStruct((1, n), jnp.int32),
        scratch_shapes=[pltpu.VMEM((k, c + 1), jnp.float32)],
    )(input4d, embedding)


@functools.cache
def _make_sc_gather(b, w, h, c, k, dtype):
    n = b * w * h
    info = plsc.get_sparse_core_info()
    nw = info.num_subcores
    assert n % (8 * nw) == 0
    b_per_w = n // nw
    wpw = b_per_w // h
    wpb = w // wpw
    mesh = plsc.VectorSubcoreMesh(core_axis_name="c", subcore_axis_name="s", num_cores=1)

    @functools.partial(
        pl.kernel,
        mesh=mesh,
        out_type=jax.ShapeDtypeStruct((b, w, h, c), dtype),
        scratch_types=[
            pltpu.VMEM((b_per_w,), jnp.int32),
            pltpu.VMEM((wpw, h, c), dtype),
            pltpu.SemaphoreType.DMA,
        ],
        compiler_params=pltpu.CompilerParams(use_tc_tiling_on_sc=False),
    )
    def sc_gather(idx_hbm, table_hbm, out_hbm, idx_v, rows_v, sem):
        wid = lax.axis_index("s")
        base = wid * b_per_w
        pltpu.sync_copy(idx_hbm.at[pl.ds(base, b_per_w)], idx_v)
        copies = [
            pltpu.async_copy(
                table_hbm.at[idx_v.at[pl.ds(j * h, h)]], rows_v.at[j], sem)
            for j in range(wpw)
        ]
        for cp in copies:
            cp.wait()
        b0 = wid // wpb
        w0 = (wid % wpb) * wpw
        pltpu.sync_copy(rows_v, out_hbm.at[b0, pl.ds(w0, wpw)])

    return sc_gather


def kernel(input, embedding):
    b, w, h, c = input.shape
    k = embedding.shape[0]
    n = b * w * h
    idx = _nearest_indices(input, embedding).reshape(n)
    return _make_sc_gather(b, w, h, c, k, embedding.dtype)(idx, embedding)

# --- scband reference (transcript-rebuilt; emitter-appended) ---
"""Pipeline reference for scband-vector-quantization-16381005267264 (READ-ONLY COPY).

The authoritative reference and input builder live on the scoring server;
editing this copy changes nothing except your own understanding.
"""

import jax, jax.numpy as jnp
import numpy as np


def setup_inputs(seed: int = 0) -> dict:
    key = jax.random.key(seed)
    k1, k2 = jax.random.split(key)
    inp = jax.random.normal(k1, (4, 32, 32, 32), dtype=jnp.float32)
    # learned codebook, uniform[0,1) init as in the keras layer
    embedding = jax.random.uniform(k2, (512, 32), dtype=jnp.float32, minval=0.0, maxval=1.0)
    return {"input": inp, "embedding": embedding}


def reference(input, embedding):
    B, w, h, c = input.shape
    flat = input.reshape(B * w * h, c)
    # faithful to tf.tile + reshape: broadcast to (B*w*h, K, c), squared L2 distance
    diff = jnp.sum((flat[:, None, :] - embedding[None, :, :]) ** 2, axis=-1)
    embedding_indexes = jnp.argmin(diff, axis=-1).reshape(B, w, h)
    quantized_vectors = jnp.take(embedding, embedding_indexes, axis=0)
    # straight-through estimator
    quantized_vectors = input + jax.lax.stop_gradient(quantized_vectors - input)
    return quantized_vectors

if __name__ == "__main__":
    import jax
    _d = setup_inputs()
    print(jax.jit(kernel)(*tuple(_d.values())))

</pallas_src>

<mosaic_0001>
#map = affine_map<(d0, d1) -> (0)>
#map1 = affine_map<(d0, d1) -> (0, 0)>
#map2 = affine_map<(d0, d1) -> (0, 0, 0, 0)>
module attributes {stable_mosaic.version = 14 : i64} {
  func.func @sc_gather(%arg0: i32, %arg1: i32, %arg2: memref<4096xi32, #tpu.memory_space<hbm>>, %arg3: memref<512x32xf32, #tpu.memory_space<hbm>>, %arg4: memref<4x32x32x32xf32, #tpu.memory_space<hbm>>, %arg5: memref<256xi32, #tpu.memory_space<vmem>>, %arg6: memref<8x32x32xf32, #tpu.memory_space<vmem>>, %arg7: memref<!tpu.dma_semaphore, #tpu.memory_space<semaphore_mem>>) attributes {dimension_semantics = [#tpu.dimension_semantics<core_parallel>, #tpu.dimension_semantics<subcore_parallel>], iteration_bounds = array<i64: 1, 16>, scalar_prefetch = 0 : i64, scratch_operands = 3 : i64, tpu.core_type = #tpu.core_type<sc_vector_subcore>, window_params = [{transform_indices = #map}, {transform_indices = #map1}, {transform_indices = #map2}]} {
    %mul3A = arith.constant 256 : i32
    %mul3A_0 = arith.muli %arg1, %mul3A : i32
    "tpu.region"() ({
      %run_scoped3A = tpu.sem_alloc : memref<!tpu.dma_semaphore, #tpu.memory_space<semaphore_mem>>
      %dma_start3A_190 = tpu.memref_slice %arg2[%mul3A_0] : memref<4096xi32, #tpu.memory_space<hbm>> -> memref<256xi32, #tpu.memory_space<hbm>>
      %dma_start3A_191 = tpu.memref_slice %arg2[%mul3A_0] : memref<4096xi32, #tpu.memory_space<hbm>> -> memref<256xi32, #tpu.memory_space<hbm>>
      tpu.enqueue_dma source(%dma_start3A_191 : memref<256xi32, #tpu.memory_space<hbm>>) target(%arg5 : memref<256xi32, #tpu.memory_space<vmem>>) target_semaphore(%run_scoped3A : memref<!tpu.dma_semaphore, #tpu.memory_space<semaphore_mem>>)
      %dma_wait3A_192 = tpu.memref_slice %arg2[%mul3A_0] : memref<4096xi32, #tpu.memory_space<hbm>> -> memref<256xi32, #tpu.memory_space<hbm>>
      %dma_wait3A_193 = tpu.memref_slice %arg2[%mul3A_0] : memref<4096xi32, #tpu.memory_space<hbm>> -> memref<256xi32, #tpu.memory_space<hbm>>
      tpu.wait_dma2 semaphore(%run_scoped3A : memref<!tpu.dma_semaphore, #tpu.memory_space<semaphore_mem>>) src(%dma_wait3A_193 : memref<256xi32, #tpu.memory_space<hbm>>) dst(%arg5 : memref<256xi32, #tpu.memory_space<vmem>>)
      tpu.yield
    }) : () -> ()
    %dma_start3A = arith.constant 0 : i32
    %dma_start3A_1 = arith.constant 0 : i32
    %dma_start3A_2 = arith.constant 0 : i32
    %dma_start3A_3 = tpu.memref_slice %arg6[%dma_start3A, %dma_start3A_1, %dma_start3A_2] : memref<8x32x32xf32, #tpu.memory_space<vmem>> -> memref<1x32x32xf32, #tpu.memory_space<vmem>>
    %dma_start3A_4 = tpu.memref_squeeze %dma_start3A_3 : memref<1x32x32xf32, #tpu.memory_space<vmem>> -> memref<32x32xf32, #tpu.memory_space<vmem>>
    %dma_start3A_5 = arith.constant 0 : i32
    %dma_start3A_6 = tpu.memref_slice %arg5[%dma_start3A_5] : memref<256xi32, #tpu.memory_space<vmem>> -> memref<32xi32, #tpu.memory_space<vmem>>
    %dma_start3A_7 = arith.constant 0 : i32
    %dma_start3A_8 = arith.constant 0 : i32
    %dma_start3A_9 = tpu.memref_slice %arg3[%dma_start3A_7, %dma_start3A_8] : memref<512x32xf32, #tpu.memory_space<hbm>> -> memref<512x32xf32, #tpu.memory_space<hbm>>
    tpu.enqueue_indirect_dma source(%dma_start3A_9 : memref<512x32xf32, #tpu.memory_space<hbm>>) target(%dma_start3A_4 : memref<32x32xf32, #tpu.memory_space<vmem>>) offsets(%dma_start3A_6 : memref<32xi32, #tpu.memory_space<vmem>>) semaphore(%arg7 : memref<!tpu.dma_semaphore, #tpu.memory_space<semaphore_mem>>)
    %dma_start3A_10 = arith.constant 1 : i32
    %dma_start3A_11 = arith.constant 0 : i32
    %dma_start3A_12 = arith.constant 0 : i32
    %dma_start3A_13 = tpu.memref_slice %arg6[%dma_start3A_10, %dma_start3A_11, %dma_start3A_12] : memref<8x32x32xf32, #tpu.memory_space<vmem>> -> memref<1x32x32xf32, #tpu.memory_space<vmem>>
    %dma_start3A_14 = tpu.memref_squeeze %dma_start3A_13 : memref<1x32x32xf32, #tpu.memory_space<vmem>> -> memref<32x32xf32, #tpu.memory_space<vmem>>
    %dma_start3A_15 = arith.constant 32 : i32
    %dma_start3A_16 = tpu.memref_slice %arg5[%dma_start3A_15] : memref<256xi32, #tpu.memory_space<vmem>> -> memref<32xi32, #tpu.memory_space<vmem>>
    %dma_start3A_17 = arith.constant 0 : i32
    %dma_start3A_18 = arith.constant 0 : i32
    %dma_start3A_19 = tpu.memref_slice %arg3[%dma_start3A_17, %dma_start3A_18] : memref<512x32xf32, #tpu.memory_space<hbm>> -> memref<512x32xf32, #tpu.memory_space<hbm>>
    tpu.enqueue_indirect_dma source(%dma_start3A_19 : memref<512x32xf32, #tpu.memory_space<hbm>>) target(%dma_start3A_14 : memref<32x32xf32, #tpu.memory_space<vmem>>) offsets(%dma_start3A_16 : memref<32xi32, #tpu.memory_space<vmem>>) semaphore(%arg7 : memref<!tpu.dma_semaphore, #tpu.memory_space<semaphore_mem>>)
    %dma_start3A_20 = arith.constant 2 : i32
    %dma_start3A_21 = arith.constant 0 : i32
    %dma_start3A_22 = arith.constant 0 : i32
    %dma_start3A_23 = tpu.memref_slice %arg6[%dma_start3A_20, %dma_start3A_21, %dma_start3A_22] : memref<8x32x32xf32, #tpu.memory_space<vmem>> -> memref<1x32x32xf32, #tpu.memory_space<vmem>>
    %dma_start3A_24 = tpu.memref_squeeze %dma_start3A_23 : memref<1x32x32xf32, #tpu.memory_space<vmem>> -> memref<32x32xf32, #tpu.memory_space<vmem>>
    %dma_start3A_25 = arith.constant 64 : i32
    %dma_start3A_26 = tpu.memref_slice %arg5[%dma_start3A_25] : memref<256xi32, #tpu.memory_space<vmem>> -> memref<32xi32, #tpu.memory_space<vmem>>
    %dma_start3A_27 = arith.constant 0 : i32
    %dma_start3A_28 = arith.constant 0 : i32
    %dma_start3A_29 = tpu.memref_slice %arg3[%dma_start3A_27, %dma_start3A_28] : memref<512x32xf32, #tpu.memory_space<hbm>> -> memref<512x32xf32, #tpu.memory_space<hbm>>
    tpu.enqueue_indirect_dma source(%dma_start3A_29 : memref<512x32xf32, #tpu.memory_space<hbm>>) target(%dma_start3A_24 : memref<32x32xf32, #tpu.memory_space<vmem>>) offsets(%dma_start3A_26 : memref<32xi32, #tpu.memory_space<vmem>>) semaphore(%arg7 : memref<!tpu.dma_semaphore, #tpu.memory_space<semaphore_mem>>)
    %dma_start3A_30 = arith.constant 3 : i32
    %dma_start3A_31 = arith.constant 0 : i32
    %dma_start3A_32 = arith.constant 0 : i32
    %dma_start3A_33 = tpu.memref_slice %arg6[%dma_start3A_30, %dma_start3A_31, %dma_start3A_32] : memref<8x32x32xf32, #tpu.memory_space<vmem>> -> memref<1x32x32xf32, #tpu.memory_space<vmem>>
    %dma_start3A_34 = tpu.memref_squeeze %dma_start3A_33 : memref<1x32x32xf32, #tpu.memory_space<vmem>> -> memref<32x32xf32, #tpu.memory_space<vmem>>
    %dma_start3A_35 = arith.constant 96 : i32
    %dma_start3A_36 = tpu.memref_slice %arg5[%dma_start3A_35] : memref<256xi32, #tpu.memory_space<vmem>> -> memref<32xi32, #tpu.memory_space<vmem>>
    %dma_start3A_37 = arith.constant 0 : i32
    %dma_start3A_38 = arith.constant 0 : i32
    %dma_start3A_39 = tpu.memref_slice %arg3[%dma_start3A_37, %dma_start3A_38] : memref<512x32xf32, #tpu.memory_space<hbm>> -> memref<512x32xf32, #tpu.memory_space<hbm>>
    tpu.enqueue_indirect_dma source(%dma_start3A_39 : memref<512x32xf32, #tpu.memory_space<hbm>>) target(%dma_start3A_34 : memref<32x32xf32, #tpu.memory_space<vmem>>) offsets(%dma_start3A_36 : memref<32xi32, #tpu.memory_space<vmem>>) semaphore(%arg7 : memref<!tpu.dma_semaphore, #tpu.memory_space<semaphore_mem>>)
    %dma_start3A_40 = arith.constant 4 : i32
    %dma_start3A_41 = arith.constant 0 : i32
    %dma_start3A_42 = arith.constant 0 : i32
    %dma_start3A_43 = tpu.memref_slice %arg6[%dma_start3A_40, %dma_start3A_41, %dma_start3A_42] : memref<8x32x32xf32, #tpu.memory_space<vmem>> -> memref<1x32x32xf32, #tpu.memory_space<vmem>>
    %dma_start3A_44 = tpu.memref_squeeze %dma_start3A_43 : memref<1x32x32xf32, #tpu.memory_space<vmem>> -> memref<32x32xf32, #tpu.memory_space<vmem>>
    %dma_start3A_45 = arith.constant 128 : i32
    %dma_start3A_46 = tpu.memref_slice %arg5[%dma_start3A_45] : memref<256xi32, #tpu.memory_space<vmem>> -> memref<32xi32, #tpu.memory_space<vmem>>
    %dma_start3A_47 = arith.constant 0 : i32
    %dma_start3A_48 = arith.constant 0 : i32
    %dma_start3A_49 = tpu.memref_slice %arg3[%dma_start3A_47, %dma_start3A_48] : memref<512x32xf32, #tpu.memory_space<hbm>> -> memref<512x32xf32, #tpu.memory_space<hbm>>
    tpu.enqueue_indirect_dma source(%dma_start3A_49 : memref<512x32xf32, #tpu.memory_space<hbm>>) target(%dma_start3A_44 : memref<32x32xf32, #tpu.memory_space<vmem>>) offsets(%dma_start3A_46 : memref<32xi32, #tpu.memory_space<vmem>>) semaphore(%arg7 : memref<!tpu.dma_semaphore, #tpu.memory_space<semaphore_mem>>)
    %dma_start3A_50 = arith.constant 5 : i32
    %dma_start3A_51 = arith.constant 0 : i32
    %dma_start3A_52 = arith.constant 0 : i32
    %dma_start3A_53 = tpu.memref_slice %arg6[%dma_start3A_50, %dma_start3A_51, %dma_start3A_52] : memref<8x32x32xf32, #tpu.memory_space<vmem>> -> memref<1x32x32xf32, #tpu.memory_space<vmem>>
    %dma_start3A_54 = tpu.memref_squeeze %dma_start3A_53 : memref<1x32x32xf32, #tpu.memory_space<vmem>> -> memref<32x32xf32, #tpu.memory_space<vmem>>
    %dma_start3A_55 = arith.constant 160 : i32
    %dma_start3A_56 = tpu.memref_slice %arg5[%dma_start3A_55] : memref<256xi32, #tpu.memory_space<vmem>> -> memref<32xi32, #tpu.memory_space<vmem>>
    %dma_start3A_57 = arith.constant 0 : i32
    %dma_start3A_58 = arith.constant 0 : i32
    %dma_start3A_59 = tpu.memref_slice %arg3[%dma_start3A_57, %dma_start3A_58] : memref<512x32xf32, #tpu.memory_space<hbm>> -> memref<512x32xf32, #tpu.memory_space<hbm>>
    tpu.enqueue_indirect_dma source(%dma_start3A_59 : memref<512x32xf32, #tpu.memory_space<hbm>>) target(%dma_start3A_54 : memref<32x32xf32, #tpu.memory_space<vmem>>) offsets(%dma_start3A_56 : memref<32xi32, #tpu.memory_space<vmem>>) semaphore(%arg7 : memref<!tpu.dma_semaphore, #tpu.memory_space<semaphore_mem>>)
    %dma_start3A_60 = arith.constant 6 : i32
    %dma_start3A_61 = arith.constant 0 : i32
    %dma_start3A_62 = arith.constant 0 : i32
    %dma_start3A_63 = tpu.memref_slice %arg6[%dma_start3A_60, %dma_start3A_61, %dma_start3A_62] : memref<8x32x32xf32, #tpu.memory_space<vmem>> -> memref<1x32x32xf32, #tpu.memory_space<vmem>>
    %dma_start3A_64 = tpu.memref_squeeze %dma_start3A_63 : memref<1x32x32xf32, #tpu.memory_space<vmem>> -> memref<32x32xf32, #tpu.memory_space<vmem>>
    %dma_start3A_65 = arith.constant 192 : i32
    %dma_start3A_66 = tpu.memref_slice %arg5[%dma_start3A_65] : memref<256xi32, #tpu.memory_space<vmem>> -> memref<32xi32, #tpu.memory_space<vmem>>
    %dma_start3A_67 = arith.constant 0 : i32
    %dma_start3A_68 = arith.constant 0 : i32
    %dma_start3A_69 = tpu.memref_slice %arg3[%dma_start3A_67, %dma_start3A_68] : memref<512x32xf32, #tpu.memory_space<hbm>> -> memref<512x32xf32, #tpu.memory_space<hbm>>
    tpu.enqueue_indirect_dma source(%dma_start3A_69 : memref<512x32xf32, #tpu.memory_space<hbm>>) target(%dma_start3A_64 : memref<32x32xf32, #tpu.memory_space<vmem>>) offsets(%dma_start3A_66 : memref<32xi32, #tpu.memory_space<vmem>>) semaphore(%arg7 : memref<!tpu.dma_semaphore, #tpu.memory_space<semaphore_mem>>)
    %dma_start3A_70 = arith.constant 7 : i32
    %dma_start3A_71 = arith.constant 0 : i32
    %dma_start3A_72 = arith.constant 0 : i32
    %dma_start3A_73 = tpu.memref_slice %arg6[%dma_start3A_70, %dma_start3A_71, %dma_start3A_72] : memref<8x32x32xf32, #tpu.memory_space<vmem>> -> memref<1x32x32xf32, #tpu.memory_space<vmem>>
    %dma_start3A_74 = tpu.memref_squeeze %dma_start3A_73 : memref<1x32x32xf32, #tpu.memory_space<vmem>> -> memref<32x32xf32, #tpu.memory_space<vmem>>
    %dma_start3A_75 = arith.constant 224 : i32
    %dma_start3A_76 = tpu.memref_slice %arg5[%dma_start3A_75] : memref<256xi32, #tpu.memory_space<vmem>> -> memref<32xi32, #tpu.memory_space<vmem>>
    %dma_start3A_77 = arith.constant 0 : i32
    %dma_start3A_78 = arith.constant 0 : i32
    %dma_start3A_79 = tpu.memref_slice %arg3[%dma_start3A_77, %dma_start3A_78] : memref<512x32xf32, #tpu.memory_space<hbm>> -> memref<512x32xf32, #tpu.memory_space<hbm>>
    tpu.enqueue_indirect_dma source(%dma_start3A_79 : memref<512x32xf32, #tpu.memory_space<hbm>>) target(%dma_start3A_74 : memref<32x32xf32, #tpu.memory_space<vmem>>) offsets(%dma_start3A_76 : memref<32xi32, #tpu.memory_space<vmem>>) semaphore(%arg7 : memref<!tpu.dma_semaphore, #tpu.memory_space<semaphore_mem>>)
    %dma_wait3A = arith.constant 0 : i32
    %dma_wait3A_80 = arith.constant 0 : i32
    %dma_wait3A_81 = arith.constant 0 : i32
    %dma_wait3A_82 = tpu.memref_slice %arg6[%dma_wait3A, %dma_wait3A_80, %dma_wait3A_81] : memref<8x32x32xf32, #tpu.memory_space<vmem>> -> memref<1x32x32xf32, #tpu.memory_space<vmem>>
    %dma_wait3A_83 = tpu.memref_squeeze %dma_wait3A_82 : memref<1x32x32xf32, #tpu.memory_space<vmem>> -> memref<32x32xf32, #tpu.memory_space<vmem>>
    %dma_wait3A_84 = arith.constant 0 : i32
    %dma_wait3A_85 = tpu.memref_slice %arg5[%dma_wait3A_84] : memref<256xi32, #tpu.memory_space<vmem>> -> memref<32xi32, #tpu.memory_space<vmem>>
    %dma_wait3A_86 = arith.constant 0 : i32
    %dma_wait3A_87 = arith.constant 0 : i32
    %dma_wait3A_88 = tpu.memref_slice %arg3[%dma_wait3A_86, %dma_wait3A_87] : memref<512x32xf32, #tpu.memory_space<hbm>> -> memref<512x32xf32, #tpu.memory_space<hbm>>
    tpu.wait_indirect_dma semaphore(%arg7 : memref<!tpu.dma_semaphore, #tpu.memory_space<semaphore_mem>>) src(%dma_wait3A_88 : memref<512x32xf32, #tpu.memory_space<hbm>>) dst(%dma_wait3A_83 : memref<32x32xf32, #tpu.memory_space<vmem>>)
    %dma_wait3A_89 = arith.constant 1 : i32
    %dma_wait3A_90 = arith.constant 0 : i32
    %dma_wait3A_91 = arith.constant 0 : i32
    %dma_wait3A_92 = tpu.memref_slice %arg6[%dma_wait3A_89, %dma_wait3A_90, %dma_wait3A_91] : memref<8x32x32xf32, #tpu.memory_space<vmem>> -> memref<1x32x32xf32, #tpu.memory_space<vmem>>
    %dma_wait3A_93 = tpu.memref_squeeze %dma_wait3A_92 : memref<1x32x32xf32, #tpu.memory_space<vmem>> -> memref<32x32xf32, #tpu.memory_space<vmem>>
    %dma_wait3A_94 = arith.constant 32 : i32
    %dma_wait3A_95 = tpu.memref_slice %arg5[%dma_wait3A_94] : memref<256xi32, #tpu.memory_space<vmem>> -> memref<32xi32, #tpu.memory_space<vmem>>
    %dma_wait3A_96 = arith.constant 0 : i32
    %dma_wait3A_97 = arith.constant 0 : i32
    %dma_wait3A_98 = tpu.memref_slice %arg3[%dma_wait3A_96, %dma_wait3A_97] : memref<512x32xf32, #tpu.memory_space<hbm>> -> memref<512x32xf32, #tpu.memory_space<hbm>>
    tpu.wait_indirect_dma semaphore(%arg7 : memref<!tpu.dma_semaphore, #tpu.memory_space<semaphore_mem>>) src(%dma_wait3A_98 : memref<512x32xf32, #tpu.memory_space<hbm>>) dst(%dma_wait3A_93 : memref<32x32xf32, #tpu.memory_space<vmem>>)
    %dma_wait3A_99 = arith.constant 2 : i32
    %dma_wait3A_100 = arith.constant 0 : i32
    %dma_wait3A_101 = arith.constant 0 : i32
    %dma_wait3A_102 = tpu.memref_slice %arg6[%dma_wait3A_99, %dma_wait3A_100, %dma_wait3A_101] : memref<8x32x32xf32, #tpu.memory_space<vmem>> -> memref<1x32x32xf32, #tpu.memory_space<vmem>>
    %dma_wait3A_103 = tpu.memref_squeeze %dma_wait3A_102 : memref<1x32x32xf32, #tpu.memory_space<vmem>> -> memref<32x32xf32, #tpu.memory_space<vmem>>
    %dma_wait3A_104 = arith.constant 64 : i32
    %dma_wait3A_105 = tpu.memref_slice %arg5[%dma_wait3A_104] : memref<256xi32, #tpu.memory_space<vmem>> -> memref<32xi32, #tpu.memory_space<vmem>>
    %dma_wait3A_106 = arith.constant 0 : i32
    %dma_wait3A_107 = arith.constant 0 : i32
    %dma_wait3A_108 = tpu.memref_slice %arg3[%dma_wait3A_106, %dma_wait3A_107] : memref<512x32xf32, #tpu.memory_space<hbm>> -> memref<512x32xf32, #tpu.memory_space<hbm>>
    tpu.wait_indirect_dma semaphore(%arg7 : memref<!tpu.dma_semaphore, #tpu.memory_space<semaphore_mem>>) src(%dma_wait3A_108 : memref<512x32xf32, #tpu.memory_space<hbm>>) dst(%dma_wait3A_103 : memref<32x32xf32, #tpu.memory_space<vmem>>)
    %dma_wait3A_109 = arith.constant 3 : i32
    %dma_wait3A_110 = arith.constant 0 : i32
    %dma_wait3A_111 = arith.constant 0 : i32
    %dma_wait3A_112 = tpu.memref_slice %arg6[%dma_wait3A_109, %dma_wait3A_110, %dma_wait3A_111] : memref<8x32x32xf32, #tpu.memory_space<vmem>> -> memref<1x32x32xf32, #tpu.memory_space<vmem>>
    %dma_wait3A_113 = tpu.memref_squeeze %dma_wait3A_112 : memref<1x32x32xf32, #tpu.memory_space<vmem>> -> memref<32x32xf32, #tpu.memory_space<vmem>>
    %dma_wait3A_114 = arith.constant 96 : i32
    %dma_wait3A_115 = tpu.memref_slice %arg5[%dma_wait3A_114] : memref<256xi32, #tpu.memory_space<vmem>> -> memref<32xi32, #tpu.memory_space<vmem>>
    %dma_wait3A_116 = arith.constant 0 : i32
    %dma_wait3A_117 = arith.constant 0 : i32
    %dma_wait3A_118 = tpu.memref_slice %arg3[%dma_wait3A_116, %dma_wait3A_117] : memref<512x32xf32, #tpu.memory_space<hbm>> -> memref<512x32xf32, #tpu.memory_space<hbm>>
    tpu.wait_indirect_dma semaphore(%arg7 : memref<!tpu.dma_semaphore, #tpu.memory_space<semaphore_mem>>) src(%dma_wait3A_118 : memref<512x32xf32, #tpu.memory_space<hbm>>) dst(%dma_wait3A_113 : memref<32x32xf32, #tpu.memory_space<vmem>>)
    %dma_wait3A_119 = arith.constant 4 : i32
    %dma_wait3A_120 = arith.constant 0 : i32
    %dma_wait3A_121 = arith.constant 0 : i32
    %dma_wait3A_122 = tpu.memref_slice %arg6[%dma_wait3A_119, %dma_wait3A_120, %dma_wait3A_121] : memref<8x32x32xf32, #tpu.memory_space<vmem>> -> memref<1x32x32xf32, #tpu.memory_space<vmem>>
    %dma_wait3A_123 = tpu.memref_squeeze %dma_wait3A_122 : memref<1x32x32xf32, #tpu.memory_space<vmem>> -> memref<32x32xf32, #tpu.memory_space<vmem>>
    %dma_wait3A_124 = arith.constant 128 : i32
    %dma_wait3A_125 = tpu.memref_slice %arg5[%dma_wait3A_124] : memref<256xi32, #tpu.memory_space<vmem>> -> memref<32xi32, #tpu.memory_space<vmem>>
    %dma_wait3A_126 = arith.constant 0 : i32
    %dma_wait3A_127 = arith.constant 0 : i32
    %dma_wait3A_128 = tpu.memref_slice %arg3[%dma_wait3A_126, %dma_wait3A_127] : memref<512x32xf32, #tpu.memory_space<hbm>> -> memref<512x32xf32, #tpu.memory_space<hbm>>
    tpu.wait_indirect_dma semaphore(%arg7 : memref<!tpu.dma_semaphore, #tpu.memory_space<semaphore_mem>>) src(%dma_wait3A_128 : memref<512x32xf32, #tpu.memory_space<hbm>>) dst(%dma_wait3A_123 : memref<32x32xf32, #tpu.memory_space<vmem>>)
    %dma_wait3A_129 = arith.constant 5 : i32
    %dma_wait3A_130 = arith.constant 0 : i32
    %dma_wait3A_131 = arith.constant 0 : i32
    %dma_wait3A_132 = tpu.memref_slice %arg6[%dma_wait3A_129, %dma_wait3A_130, %dma_wait3A_131] : memref<8x32x32xf32, #tpu.memory_space<vmem>> -> memref<1x32x32xf32, #tpu.memory_space<vmem>>
    %dma_wait3A_133 = tpu.memref_squeeze %dma_wait3A_132 : memref<1x32x32xf32, #tpu.memory_space<vmem>> -> memref<32x32xf32, #tpu.memory_space<vmem>>
    %dma_wait3A_134 = arith.constant 160 : i32
    %dma_wait3A_135 = tpu.memref_slice %arg5[%dma_wait3A_134] : memref<256xi32, #tpu.memory_space<vmem>> -> memref<32xi32, #tpu.memory_space<vmem>>
    %dma_wait3A_136 = arith.constant 0 : i32
    %dma_wait3A_137 = arith.constant 0 : i32
    %dma_wait3A_138 = tpu.memref_slice %arg3[%dma_wait3A_136, %dma_wait3A_137] : memref<512x32xf32, #tpu.memory_space<hbm>> -> memref<512x32xf32, #tpu.memory_space<hbm>>
    tpu.wait_indirect_dma semaphore(%arg7 : memref<!tpu.dma_semaphore, #tpu.memory_space<semaphore_mem>>) src(%dma_wait3A_138 : memref<512x32xf32, #tpu.memory_space<hbm>>) dst(%dma_wait3A_133 : memref<32x32xf32, #tpu.memory_space<vmem>>)
    %dma_wait3A_139 = arith.constant 6 : i32
    %dma_wait3A_140 = arith.constant 0 : i32
    %dma_wait3A_141 = arith.constant 0 : i32
    %dma_wait3A_142 = tpu.memref_slice %arg6[%dma_wait3A_139, %dma_wait3A_140, %dma_wait3A_141] : memref<8x32x32xf32, #tpu.memory_space<vmem>> -> memref<1x32x32xf32, #tpu.memory_space<vmem>>
    %dma_wait3A_143 = tpu.memref_squeeze %dma_wait3A_142 : memref<1x32x32xf32, #tpu.memory_space<vmem>> -> memref<32x32xf32, #tpu.memory_space<vmem>>
    %dma_wait3A_144 = arith.constant 192 : i32
    %dma_wait3A_145 = tpu.memref_slice %arg5[%dma_wait3A_144] : memref<256xi32, #tpu.memory_space<vmem>> -> memref<32xi32, #tpu.memory_space<vmem>>
    %dma_wait3A_146 = arith.constant 0 : i32
    %dma_wait3A_147 = arith.constant 0 : i32
    %dma_wait3A_148 = tpu.memref_slice %arg3[%dma_wait3A_146, %dma_wait3A_147] : memref<512x32xf32, #tpu.memory_space<hbm>> -> memref<512x32xf32, #tpu.memory_space<hbm>>
    tpu.wait_indirect_dma semaphore(%arg7 : memref<!tpu.dma_semaphore, #tpu.memory_space<semaphore_mem>>) src(%dma_wait3A_148 : memref<512x32xf32, #tpu.memory_space<hbm>>) dst(%dma_wait3A_143 : memref<32x32xf32, #tpu.memory_space<vmem>>)
    %dma_wait3A_149 = arith.constant 7 : i32
    %dma_wait3A_150 = arith.constant 0 : i32
    %dma_wait3A_151 = arith.constant 0 : i32
    %dma_wait3A_152 = tpu.memref_slice %arg6[%dma_wait3A_149, %dma_wait3A_150, %dma_wait3A_151] : memref<8x32x32xf32, #tpu.memory_space<vmem>> -> memref<1x32x32xf32, #tpu.memory_space<vmem>>
    %dma_wait3A_153 = tpu.memref_squeeze %dma_wait3A_152 : memref<1x32x32xf32, #tpu.memory_space<vmem>> -> memref<32x32xf32, #tpu.memory_space<vmem>>
    %dma_wait3A_154 = arith.constant 224 : i32
    %dma_wait3A_155 = tpu.memref_slice %arg5[%dma_wait3A_154] : memref<256xi32, #tpu.memory_space<vmem>> -> memref<32xi32, #tpu.memory_space<vmem>>
    %dma_wait3A_156 = arith.constant 0 : i32
    %dma_wait3A_157 = arith.constant 0 : i32
    %dma_wait3A_158 = tpu.memref_slice %arg3[%dma_wait3A_156, %dma_wait3A_157] : memref<512x32xf32, #tpu.memory_space<hbm>> -> memref<512x32xf32, #tpu.memory_space<hbm>>
    tpu.wait_indirect_dma semaphore(%arg7 : memref<!tpu.dma_semaphore, #tpu.memory_space<semaphore_mem>>) src(%dma_wait3A_158 : memref<512x32xf32, #tpu.memory_space<hbm>>) dst(%dma_wait3A_153 : memref<32x32xf32, #tpu.memory_space<vmem>>)
    %jit3A = arith.constant 4 : i32
    %div3A = arith.divsi %arg1, %jit3A : i32
    %sign3A = arith.constant 0 : i32
    %sign3A_159 = arith.cmpi sgt, %arg1, %sign3A : i32
    %sign3A_160 = arith.extui %sign3A_159 : i1 to i32
    %sign3A_161 = arith.constant 0 : i32
    %sign3A_162 = arith.cmpi slt, %arg1, %sign3A_161 : i32
    %sign3A_163 = arith.extui %sign3A_162 : i1 to i32
    %sign3A_164 = arith.subi %sign3A_160, %sign3A_163 : i32
    %sign3A_165 = arith.constant 0 : i32
    %sign3A_166 = arith.cmpi sgt, %jit3A, %sign3A_165 : i32
    %sign3A_167 = arith.extui %sign3A_166 : i1 to i32
    %sign3A_168 = arith.constant 0 : i32
    %sign3A_169 = arith.cmpi slt, %jit3A, %sign3A_168 : i32
    %sign3A_170 = arith.extui %sign3A_169 : i1 to i32
    %sign3A_171 = arith.subi %sign3A_167, %sign3A_170 : i32
    %ne3A = arith.cmpi ne, %sign3A_164, %sign3A_171 : i32
    %rem3A = arith.remsi %arg1, %jit3A : i32
    %ne3A_172 = arith.constant 0 : i32
    %ne3A_173 = arith.cmpi ne, %rem3A, %ne3A_172 : i32
    %and3A = arith.andi %ne3A, %ne3A_173 : i1
    %sub3A = arith.constant 1 : i32
    %sub3A_174 = arith.subi %div3A, %sub3A : i32
    %select_n3A = arith.select %and3A, %sub3A_174, %div3A : i32
    %jit3A_175 = arith.constant 4 : i32
    %eq3A = arith.constant 0 : i32
    %eq3A_176 = arith.cmpi eq, %jit3A_175, %eq3A : i32
    %jit3A_177 = arith.constant 1 : i32
    %select_n3A_178 = arith.select %eq3A_176, %jit3A_177, %jit3A_175 : i32
    %rem3A_179 = arith.remsi %arg1, %select_n3A_178 : i32
    %ne3A_180 = arith.constant 0 : i32
    %ne3A_181 = arith.cmpi ne, %rem3A_179, %ne3A_180 : i32
    %lt3A = arith.constant 0 : i32
    %lt3A_182 = arith.cmpi slt, %rem3A_179, %lt3A : i32
    %lt3A_183 = arith.constant 0 : i32
    %lt3A_184 = arith.cmpi slt, %select_n3A_178, %lt3A_183 : i32
    %ne3A_185 = arith.xori %lt3A_182, %lt3A_184 : i1
    %and3A_186 = arith.andi %ne3A_185, %ne3A_181 : i1
    %add3A = arith.addi %rem3A_179, %select_n3A_178 : i32
    %select_n3A_187 = arith.select %and3A_186, %add3A, %rem3A_179 : i32
    %mul3A_188 = arith.constant 8 : i32
    %mul3A_189 = arith.muli %select_n3A_187, %mul3A_188 : i32
    "tpu.region"() ({
      %run_scoped3A = tpu.sem_alloc : memref<!tpu.dma_semaphore, #tpu.memory_space<semaphore_mem>>
      %dma_start3A_190 = arith.constant 0 : i32
      %dma_start3A_191 = arith.constant 0 : i32
      %dma_start3A_192 = tpu.memref_slice %arg4[%select_n3A, %mul3A_189, %dma_start3A_190, %dma_start3A_191] : memref<4x32x32x32xf32, #tpu.memory_space<hbm>> -> memref<1x8x32x32xf32, #tpu.memory_space<hbm>>
      %dma_start3A_193 = tpu.memref_squeeze %dma_start3A_192 : memref<1x8x32x32xf32, #tpu.memory_space<hbm>> -> memref<8x32x32xf32, #tpu.memory_space<hbm>>
      %dma_start3A_194 = arith.constant 0 : i32
      %dma_start3A_195 = arith.constant 0 : i32
      %dma_start3A_196 = tpu.memref_slice %arg4[%select_n3A, %mul3A_189, %dma_start3A_194, %dma_start3A_195] : memref<4x32x32x32xf32, #tpu.memory_space<hbm>> -> memref<1x8x32x32xf32, #tpu.memory_space<hbm>>
      %dma_start3A_197 = tpu.memref_squeeze %dma_start3A_196 : memref<1x8x32x32xf32, #tpu.memory_space<hbm>> -> memref<8x32x32xf32, #tpu.memory_space<hbm>>
      tpu.enqueue_dma source(%arg6 : memref<8x32x32xf32, #tpu.memory_space<vmem>>) target(%dma_start3A_197 : memref<8x32x32xf32, #tpu.memory_space<hbm>>) target_semaphore(%run_scoped3A : memref<!tpu.dma_semaphore, #tpu.memory_space<semaphore_mem>>)
      %dma_wait3A_198 = arith.constant 0 : i32
      %dma_wait3A_199 = arith.constant 0 : i32
      %dma_wait3A_200 = tpu.memref_slice %arg4[%select_n3A, %mul3A_189, %dma_wait3A_198, %dma_wait3A_199] : memref<4x32x32x32xf32, #tpu.memory_space<hbm>> -> memref<1x8x32x32xf32, #tpu.memory_space<hbm>>
      %dma_wait3A_201 = tpu.memref_squeeze %dma_wait3A_200 : memref<1x8x32x32xf32, #tpu.memory_space<hbm>> -> memref<8x32x32xf32, #tpu.memory_space<hbm>>
      %dma_wait3A_202 = arith.constant 0 : i32
      %dma_wait3A_203 = arith.constant 0 : i32
      %dma_wait3A_204 = tpu.memref_slice %arg4[%select_n3A, %mul3A_189, %dma_wait3A_202, %dma_wait3A_203] : memref<4x32x32x32xf32, #tpu.memory_space<hbm>> -> memref<1x8x32x32xf32, #tpu.memory_space<hbm>>
      %dma_wait3A_205 = tpu.memref_squeeze %dma_wait3A_204 : memref<1x8x32x32xf32, #tpu.memory_space<hbm>> -> memref<8x32x32xf32, #tpu.memory_space<hbm>>
      tpu.wait_dma2 semaphore(%run_scoped3A : memref<!tpu.dma_semaphore, #tpu.memory_space<semaphore_mem>>) src(%arg6 : memref<8x32x32xf32, #tpu.memory_space<vmem>>) dst(%dma_wait3A_205 : memref<8x32x32xf32, #tpu.memory_space<hbm>>)
      tpu.yield
    }) : () -> ()
    return
  }
}

module attributes {stable_mosaic.version = 14 : i64} {
  func.func @_argmin_body(%arg0: memref<4x32x32x32xf32, #tpu.memory_space<vmem>>, %arg1: memref<512x32xf32, #tpu.memory_space<vmem>>, %arg2: memref<1x4096xi32, #tpu.memory_space<vmem>>, %arg3: memref<512x33xf32, #tpu.memory_space<vmem>>) attributes {dimension_semantics = [], scalar_prefetch = 0 : i64, scratch_operands = 1 : i64, tpu.core_type = #tpu.core_type<tc>} {
    %get3A = arith.constant 0 : index
    %get3A_0 = arith.constant 0 : index
    %get3A_1 = arith.constant 0 : index
    %get3A_2 = arith.constant 0 : index
    %get3A_3 = vector.load %arg0[%get3A, %get3A_0, %get3A_1, %get3A_2] : memref<4x32x32x32xf32, #tpu.memory_space<vmem>>, vector<4x32x32x32xf32>
    %reshape3A = vector.shape_cast %get3A_3 : vector<4x32x32x32xf32> to vector<4096x32xf32>
    %get3A_4 = arith.constant 0 : index
    %get3A_5 = arith.constant 0 : index
    %get3A_6 = vector.load %arg1[%get3A_4, %get3A_5] : memref<512x32xf32, #tpu.memory_space<vmem>>, vector<512x32xf32>
    %mul3A = arith.mulf %get3A_6, %get3A_6 : vector<512x32xf32>
    %reduce_sum3A = arith.constant dense<0.000000e+00> : vector<512xf32>
    %reduce_sum3A_7 = vector.multi_reduction <add>, %mul3A, %reduce_sum3A [1] : vector<512x32xf32> to vector<512xf32>
    %broadcast_in_dim3A = vector.shape_cast %reduce_sum3A_7 : vector<512xf32> to vector<512x1xf32>
    %mul3A_8 = arith.constant -2.000000e+00 : f32
    %mul3A_9 = vector.broadcast %mul3A_8 : f32 to vector<512x32xf32>
    %mul3A_10 = arith.mulf %mul3A_9, %get3A_6 : vector<512x32xf32>
    %concatenate3A = tpu.concatenate %mul3A_10, %broadcast_in_dim3A in 1 : vector<512x32xf32>, vector<512x1xf32> -> vector<512x33xf32>
    %swap3A = arith.constant 0 : index
    %swap3A_11 = arith.constant 0 : index
    %swap3A_12 = vector.load %arg3[%swap3A, %swap3A_11] : memref<512x33xf32, #tpu.memory_space<vmem>>, vector<512x33xf32>
    tpu.vector_store %arg3[%swap3A, %swap3A_11], %concatenate3A {strides = array<i32>} : memref<512x33xf32, #tpu.memory_space<vmem>>, vector<512x33xf32>,
    %broadcast_in_dim3A_13 = arith.constant 1.000000e+00 : f32
    %broadcast_in_dim3A_14 = vector.broadcast %broadcast_in_dim3A_13 : f32 to vector<4096x1xf32>
    %concatenate3A_15 = tpu.concatenate %reshape3A, %broadcast_in_dim3A_14 in 1 : vector<4096x32xf32>, vector<4096x1xf32> -> vector<4096x33xf32>
    %broadcast_in_dim3A_16 = arith.constant 0x7F800000 : f32
    %broadcast_in_dim3A_17 = vector.broadcast %broadcast_in_dim3A_16 : f32 to vector<1x4096xf32>
    %broadcast_in_dim3A_18 = arith.constant 0 : i32
    %broadcast_in_dim3A_19 = vector.broadcast %broadcast_in_dim3A_18 : i32 to vector<1x4096xi32>
    %get3A_20 = arith.constant 0 : index
    %get3A_21 = arith.constant 0 : index
    %get3A_22 = vector.load %arg3[%get3A_20, %get3A_21] : memref<512x33xf32, #tpu.memory_space<vmem>>, vector<128x33xf32>
    %dot_general3A = arith.constant dense<0.000000e+00> : vector<128x4096xf32>
    %dot_general3A_23 = tpu.matmul %get3A_22, %concatenate3A_15, %dot_general3A {dimension_numbers = #tpu.dot_dimension_numbers<[1], [1], [0], [0], [0, 0, 1, 0], [], []>, precision = #tpu.contract_precision<fp32>, transpose_lhs_hint = false} : vector<128x33xf32>, vector<4096x33xf32>, vector<128x4096xf32> -> vector<128x4096xf32>
    %reduce_min3A = arith.constant dense<0x7F800000> : vector<4096xf32>
    %reduce_min3A_24 = vector.multi_reduction <minimumf>, %dot_general3A_23, %reduce_min3A [0] : vector<128x4096xf32> to vector<4096xf32>
    %broadcast_in_dim3A_25 = vector.shape_cast %reduce_min3A_24 : vector<4096xf32> to vector<1x4096xf32>
    %iota3A = tpu.iota {dimensions = array<i32: 0>} : vector<128x4096xi32>
    %add3A = arith.constant 0 : i32
    %add3A_26 = vector.broadcast %add3A : i32 to vector<128x4096xi32>
    %add3A_27 = arith.addi %iota3A, %add3A_26 : vector<128x4096xi32>
    %le3A = vector.broadcast %broadcast_in_dim3A_25 : vector<1x4096xf32> to vector<128x4096xf32>
    %le3A_28 = arith.cmpf ole, %dot_general3A_23, %le3A : vector<128x4096xf32>
    %jit3A = arith.constant 512 : i32
    %broadcast_in_dim3A_29 = vector.broadcast %jit3A : i32 to vector<128x4096xi32>
    %select_n3A = arith.select %le3A_28, %add3A_27, %broadcast_in_dim3A_29 : vector<128x4096xi1>, vector<128x4096xi32>
    %reduce_min3A_30 = arith.constant dense<2147483647> : vector<4096xi32>
    %reduce_min3A_31 = vector.multi_reduction <minsi>, %select_n3A, %reduce_min3A_30 [0] : vector<128x4096xi32> to vector<4096xi32>
    %broadcast_in_dim3A_32 = vector.shape_cast %reduce_min3A_31 : vector<4096xi32> to vector<1x4096xi32>
    %lt3A = arith.cmpf olt, %broadcast_in_dim3A_25, %broadcast_in_dim3A_17 : vector<1x4096xf32>
    %select_n3A_33 = arith.select %lt3A, %broadcast_in_dim3A_32, %broadcast_in_dim3A_19 : vector<1x4096xi1>, vector<1x4096xi32>
    %select_n3A_34 = arith.select %lt3A, %broadcast_in_dim3A_25, %broadcast_in_dim3A_17 : vector<1x4096xi1>, vector<1x4096xf32>
    %get3A_35 = arith.constant 128 : index
    %get3A_36 = arith.constant 0 : index
    %get3A_37 = vector.load %arg3[%get3A_35, %get3A_36] : memref<512x33xf32, #tpu.memory_space<vmem>>, vector<128x33xf32>
    %dot_general3A_38 = arith.constant dense<0.000000e+00> : vector<128x4096xf32>
    %dot_general3A_39 = tpu.matmul %get3A_37, %concatenate3A_15, %dot_general3A_38 {dimension_numbers = #tpu.dot_dimension_numbers<[1], [1], [0], [0], [0, 0, 1, 0], [], []>, precision = #tpu.contract_precision<fp32>, transpose_lhs_hint = false} : vector<128x33xf32>, vector<4096x33xf32>, vector<128x4096xf32> -> vector<128x4096xf32>
    %reduce_min3A_40 = arith.constant dense<0x7F800000> : vector<4096xf32>
    %reduce_min3A_41 = vector.multi_reduction <minimumf>, %dot_general3A_39, %reduce_min3A_40 [0] : vector<128x4096xf32> to vector<4096xf32>
    %broadcast_in_dim3A_42 = vector.shape_cast %reduce_min3A_41 : vector<4096xf32> to vector<1x4096xf32>
    %iota3A_43 = tpu.iota {dimensions = array<i32: 0>} : vector<128x4096xi32>
    %add3A_44 = arith.constant 128 : i32
    %add3A_45 = vector.broadcast %add3A_44 : i32 to vector<128x4096xi32>
    %add3A_46 = arith.addi %iota3A_43, %add3A_45 : vector<128x4096xi32>
    %le3A_47 = vector.broadcast %broadcast_in_dim3A_42 : vector<1x4096xf32> to vector<128x4096xf32>
    %le3A_48 = arith.cmpf ole, %dot_general3A_39, %le3A_47 : vector<128x4096xf32>
    %jit3A_49 = arith.constant 512 : i32
    %broadcast_in_dim3A_50 = vector.broadcast %jit3A_49 : i32 to vector<128x4096xi32>
    %select_n3A_51 = arith.select %le3A_48, %add3A_46, %broadcast_in_dim3A_50 : vector<128x4096xi1>, vector<128x4096xi32>
    %reduce_min3A_52 = arith.constant dense<2147483647> : vector<4096xi32>
    %reduce_min3A_53 = vector.multi_reduction <minsi>, %select_n3A_51, %reduce_min3A_52 [0] : vector<128x4096xi32> to vector<4096xi32>
    %broadcast_in_dim3A_54 = vector.shape_cast %reduce_min3A_53 : vector<4096xi32> to vector<1x4096xi32>
    %lt3A_55 = arith.cmpf olt, %broadcast_in_dim3A_42, %select_n3A_34 : vector<1x4096xf32>
    %select_n3A_56 = arith.select %lt3A_55, %broadcast_in_dim3A_54, %select_n3A_33 : vector<1x4096xi1>, vector<1x4096xi32>
    %select_n3A_57 = arith.select %lt3A_55, %broadcast_in_dim3A_42, %select_n3A_34 : vector<1x4096xi1>, vector<1x4096xf32>
    %get3A_58 = arith.constant 256 : index
    %get3A_59 = arith.constant 0 : index
    %get3A_60 = vector.load %arg3[%get3A_58, %get3A_59] : memref<512x33xf32, #tpu.memory_space<vmem>>, vector<128x33xf32>
    %dot_general3A_61 = arith.constant dense<0.000000e+00> : vector<128x4096xf32>
    %dot_general3A_62 = tpu.matmul %get3A_60, %concatenate3A_15, %dot_general3A_61 {dimension_numbers = #tpu.dot_dimension_numbers<[1], [1], [0], [0], [0, 0, 1, 0], [], []>, precision = #tpu.contract_precision<fp32>, transpose_lhs_hint = false} : vector<128x33xf32>, vector<4096x33xf32>, vector<128x4096xf32> -> vector<128x4096xf32>
    %reduce_min3A_63 = arith.constant dense<0x7F800000> : vector<4096xf32>
    %reduce_min3A_64 = vector.multi_reduction <minimumf>, %dot_general3A_62, %reduce_min3A_63 [0] : vector<128x4096xf32> to vector<4096xf32>
    %broadcast_in_dim3A_65 = vector.shape_cast %reduce_min3A_64 : vector<4096xf32> to vector<1x4096xf32>
    %iota3A_66 = tpu.iota {dimensions = array<i32: 0>} : vector<128x4096xi32>
    %add3A_67 = arith.constant 256 : i32
    %add3A_68 = vector.broadcast %add3A_67 : i32 to vector<128x4096xi32>
    %add3A_69 = arith.addi %iota3A_66, %add3A_68 : vector<128x4096xi32>
    %le3A_70 = vector.broadcast %broadcast_in_dim3A_65 : vector<1x4096xf32> to vector<128x4096xf32>
    %le3A_71 = arith.cmpf ole, %dot_general3A_62, %le3A_70 : vector<128x4096xf32>
    %jit3A_72 = arith.constant 512 : i32
    %broadcast_in_dim3A_73 = vector.broadcast %jit3A_72 : i32 to vector<128x4096xi32>
    %select_n3A_74 = arith.select %le3A_71, %add3A_69, %broadcast_in_dim3A_73 : vector<128x4096xi1>, vector<128x4096xi32>
    %reduce_min3A_75 = arith.constant dense<2147483647> : vector<4096xi32>
    %reduce_min3A_76 = vector.multi_reduction <minsi>, %select_n3A_74, %reduce_min3A_75 [0] : vector<128x4096xi32> to vector<4096xi32>
    %broadcast_in_dim3A_77 = vector.shape_cast %reduce_min3A_76 : vector<4096xi32> to vector<1x4096xi32>
    %lt3A_78 = arith.cmpf olt, %broadcast_in_dim3A_65, %select_n3A_57 : vector<1x4096xf32>
    %select_n3A_79 = arith.select %lt3A_78, %broadcast_in_dim3A_77, %select_n3A_56 : vector<1x4096xi1>, vector<1x4096xi32>
    %select_n3A_80 = arith.select %lt3A_78, %broadcast_in_dim3A_65, %select_n3A_57 : vector<1x4096xi1>, vector<1x4096xf32>
    %get3A_81 = arith.constant 384 : index
    %get3A_82 = arith.constant 0 : index
    %get3A_83 = vector.load %arg3[%get3A_81, %get3A_82] : memref<512x33xf32, #tpu.memory_space<vmem>>, vector<128x33xf32>
    %dot_general3A_84 = arith.constant dense<0.000000e+00> : vector<128x4096xf32>
    %dot_general3A_85 = tpu.matmul %get3A_83, %concatenate3A_15, %dot_general3A_84 {dimension_numbers = #tpu.dot_dimension_numbers<[1], [1], [0], [0], [0, 0, 1, 0], [], []>, precision = #tpu.contract_precision<fp32>, transpose_lhs_hint = false} : vector<128x33xf32>, vector<4096x33xf32>, vector<128x4096xf32> -> vector<128x4096xf32>
    %reduce_min3A_86 = arith.constant dense<0x7F800000> : vector<4096xf32>
    %reduce_min3A_87 = vector.multi_reduction <minimumf>, %dot_general3A_85, %reduce_min3A_86 [0] : vector<128x4096xf32> to vector<4096xf32>
    %broadcast_in_dim3A_88 = vector.shape_cast %reduce_min3A_87 : vector<4096xf32> to vector<1x4096xf32>
    %iota3A_89 = tpu.iota {dimensions = array<i32: 0>} : vector<128x4096xi32>
    %add3A_90 = arith.constant 384 : i32
    %add3A_91 = vector.broadcast %add3A_90 : i32 to vector<128x4096xi32>
    %add3A_92 = arith.addi %iota3A_89, %add3A_91 : vector<128x4096xi32>
    %le3A_93 = vector.broadcast %broadcast_in_dim3A_88 : vector<1x4096xf32> to vector<128x4096xf32>
    %le3A_94 = arith.cmpf ole, %dot_general3A_85, %le3A_93 : vector<128x4096xf32>
    %jit3A_95 = arith.constant 512 : i32
    %broadcast_in_dim3A_96 = vector.broadcast %jit3A_95 : i32 to vector<128x4096xi32>
    %select_n3A_97 = arith.select %le3A_94, %add3A_92, %broadcast_in_dim3A_96 : vector<128x4096xi1>, vector<128x4096xi32>
    %reduce_min3A_98 = arith.constant dense<2147483647> : vector<4096xi32>
    %reduce_min3A_99 = vector.multi_reduction <minsi>, %select_n3A_97, %reduce_min3A_98 [0] : vector<128x4096xi32> to vector<4096xi32>
    %broadcast_in_dim3A_100 = vector.shape_cast %reduce_min3A_99 : vector<4096xi32> to vector<1x4096xi32>
    %lt3A_101 = arith.cmpf olt, %broadcast_in_dim3A_88, %select_n3A_80 : vector<1x4096xf32>
    %select_n3A_102 = arith.select %lt3A_101, %broadcast_in_dim3A_100, %select_n3A_79 : vector<1x4096xi1>, vector<1x4096xi32>
    %swap3A_103 = arith.constant 0 : index
    %swap3A_104 = arith.constant 0 : index
    %swap3A_105 = vector.load %arg2[%swap3A_103, %swap3A_104] : memref<1x4096xi32, #tpu.memory_space<vmem>>, vector<1x4096xi32>
    tpu.vector_store %arg2[%swap3A_103, %swap3A_104], %select_n3A_102 {strides = array<i32>} : memref<1x4096xi32, #tpu.memory_space<vmem>>, vector<1x4096xi32>,
    return
  }
}

</mosaic_0001>

<sc_bundles>
// kernel: kernel.4.cloned.1.call-start
scs
__scs_entry_jumppad:
0x0: {  	(pc) =	sbr.rel $0x88, $3  }
0x1: {  	(tag) =	ssettag $0x0;
	lr =	simm.s32 $0x1  }
0x2: {  	[smem:$0x3F9F] =	sst lr;
	_ =	strace $0xD0000000  }
0x3: {  	_ = 	snop  }
0x4: {  	_ = 	snop  }
0x5: {  	_ = 	snop  }
0x6: {  	_ = 	snop  }
0x7: {  	_ = 	snop  }
__scs_overlays_trampoline_lowered:
0x8: {  	[smem:$0x3FAE] =	sst s0  }
0x9: {  	[smem:$0x3FAF] =	sst s1  }
0xa: {  	[smem:$0x3FB0] =	sst s2  }
0xb: {  	[smem:$0x3FB1] =	sst s3  }
0xc: {  	[smem:$0x3FB2] =	sst s4  }
0xd: {  	[smem:$0x3FB3] =	sst s5  }
0xe: {  	[smem:$0x3FB4] =	sst s6  }
0xf: {  	[smem:$0x3FB5] =	sst s7  }
0x10: {  	[smem:$0x3FB6] =	sst s8  }
0x11: {  	[smem:$0x3FB7] =	sst s9;
	s0 =	simm.s32 @!p0 $0x0  }
0x12: {  	s1 =	sld [smem:$0x3F9D];
	s0 =	simm.s32 @p0 $0x1  }
0x13: {  	[smem:$0x3FB8] =	sst s0;
	s0 =	simm.s32 @!p1 $0x0  }
0x14: {  	s2 =	sld [smem:$0x3F9C];
	s0 =	simm.s32 @p1 $0x1  }
0x15: {  	[smem:$0x3FB9] =	sst s0;
	s0 =	simm.s32 @!p2 $0x0  }
0x16: {  	s3 =	sld [smem:$0x3FDB];
	s0 =	simm.s32 @p2 $0x1  }
0x17: {  	s4 =	simm.s32 $0x1BF5;
	[smem:$0x3FBB] =	sst s0  }
0x18: {  	s0 =	sld [smem:$0x3F9E];
	_ =	swait.ge [sflag:s4], $0x0  }
0x19: {  	s7 =	sld [smem:$0x3F9F]  }
0x1a: {  	s8 =	sadd.s32 $0xFFFFE003, lr  }
0x1b: {  	s9 =	sadd.s32 $0xFFFFFEF7, lr;
	s5 =	simm.s32 $0xFFFFFFFF;
	p2 =	slt.u32 s8, $0xFFFFF086  }
0x1c: {  	p1 =	slt.u32 s9, $0xF7A;
	s5 =	simm.s32 @!p2 $0x0  }
0x1d: {  	s5 =	simm.s32 @p1 $0x1;
	p0 =	seq.s32 s7, s2  }
0x1e: {  	s7 =	smul.u32 @!p0 $0xF7A, s2;
	p2 =	seq.s32 @!p0 s5, $0x0  }
0x1f: {  	s9 =	smul.u32 $0xF7A, s1;
	s8 =	simm.s32 @!p0 $0x1BF5;
	p2 =	por !p2, p0  }
0x20: {  	[sflag:s8] =	ssyncset.s32 @!p0 $0xFFFFF086;
	s6 =	sadd.s32 @!p0 s3, s7;
	s7 =	simm.s32 @!p0 $0x108  }
0x21: {  	s3 =	sadd.s32 s3, s9;
	s6 =	sadd.s32 @!p0 $0x88, s6;
	s7 =	simm.s32 @p2 $0x1082  }
0x22: {  	[simem:s7], [sflag:s8] =	dma.local @!p0 [hbm:s6], $0xF7A  }
0x23: {  	s9 =	sor.u32 $0xD0000000, s2;
	s6 =	simm.s32 $0x108;
	_ =	swait.ge @!p0 [sflag:s8], $0x0  }
0x24: {  	s3 =	sadd.s32 $0x88, s3;
	s6 =	simm.s32 @!p1 $0x1082;
	[sflag:s4] =	ssyncset.s32 $0xFFFFF086  }
0x25: {  	[simem:s6], [sflag:s4] =	dma.local [hbm:s3], $0xF7A  }
0x26: {  	[smem:$0x3F9F] =	sst s1;
	(tag) =	ssettag s2;
	_ =	strace s9  }
0x27: {  	s1 =	sld [smem:$0x3FAF]  }
0x28: {  	s2 =	sld [smem:$0x3FB0]  }
0x29: {  	s4 =	sld [smem:$0x3FB2]  }
0x2a: {  	p0 =	seq.s32 s5, $0x0;
	s5 =	sld [smem:$0x3FB3]  }
0x2b: {  	s6 =	sld [smem:$0x3FB4]  }
0x2c: {  	s7 =	sld [smem:$0x3FB5]  }
0x2d: {  	s3 =	simm.s32 $0x108;
	s8 =	sld [smem:$0x3FB6]  }
0x2e: {  	s3 =	simm.s32 @!p0 $0x1082;
	s9 =	sld [smem:$0x3FB7]  }
0x2f: {  	lr =	sadd.s32 s0, s3;
	s0 =	sld [smem:$0x3FAE]  }
0x30: {  	s3 =	sld [smem:$0x3FB1]  }
0x31: {  	[smem:$0x3FBA] =	sst s10  }
0x32: {  	s10 =	sld [smem:$0x3FB8];
	_ =	sdelay $0x3  }
0x33: {  	p0 =	seq.s32 s10, $0x1;
	s10 =	sld [smem:$0x3FBA];
	_ =	sdelay $0x3  }
0x34: {  	[smem:$0x3FBA] =	sst s10  }
0x35: {  	s10 =	sld [smem:$0x3FB9];
	_ =	sdelay $0x3  }
0x36: {  	p1 =	seq.s32 s10, $0x1;
	s10 =	sld [smem:$0x3FBA];
	_ =	sdelay $0x3  }
0x37: {  	[smem:$0x3FBA] =	sst s10  }
0x38: {  	s10 =	sld [smem:$0x3FBB]  }
0x39: {  	_ = 	snop;
	(pc) =	sbr.ind lr, $3  }
0x3a: {  	_ = 	snop  }
0x3b: {  	_ = 	snop  }
0x3c: {  	p2 =	seq.s32 s10, $0x1;
	s10 =	sld [smem:$0x3FBA]  }
0x3d: {  	_ =	shalt  }
0x3e: {  	_ =	shalt  }
0x3f: {  	_ =	shalt  }
0x40: {  	_ =	shalt  }
0x41: {  	_ =	shalt  }
0x42: {  	_ =	shalt  }
0x43: {  	_ =	shalt  }
0x44: {  	_ =	shalt  }
0x45: {  	_ =	shalt  }
0x46: {  	_ =	shalt  }
0x47: {  	_ =	shalt  }
0x48: {  	_ =	shalt  }
0x49: {  	_ =	shalt  }
0x4a: {  	_ =	shalt  }
0x4b: {  	_ =	shalt  }
0x4c: {  	_ =	shalt  }
0x4d: {  	_ =	shalt  }
0x4e: {  	_ =	shalt  }
0x4f: {  	_ =	shalt  }
0x50: {  	_ =	shalt  }
0x51: {  	_ =	shalt  }
0x52: {  	_ =	shalt  }
0x53: {  	_ =	shalt  }
0x54: {  	_ =	shalt  }
0x55: {  	_ =	shalt  }
0x56: {  	_ =	shalt  }
0x57: {  	_ =	shalt  }
0x58: {  	_ =	shalt  }
0x59: {  	_ =	shalt  }
0x5a: {  	_ =	shalt  }
0x5b: {  	_ =	shalt  }
0x5c: {  	_ =	shalt  }
0x5d: {  	_ =	shalt  }
0x5e: {  	_ =	shalt  }
0x5f: {  	_ =	shalt  }
0x60: {  	_ =	shalt  }
0x61: {  	_ =	shalt  }
0x62: {  	_ =	shalt  }
0x63: {  	_ =	shalt  }
0x64: {  	_ =	shalt  }
0x65: {  	_ =	shalt  }
0x66: {  	_ =	shalt  }
0x67: {  	_ =	shalt  }
0x68: {  	_ =	shalt  }
0x69: {  	_ =	shalt  }
0x6a: {  	_ =	shalt  }
0x6b: {  	_ =	shalt  }
0x6c: {  	_ =	shalt  }
0x6d: {  	_ =	shalt  }
0x6e: {  	_ =	shalt  }
0x6f: {  	_ =	shalt  }
0x70: {  	_ =	shalt  }
0x71: {  	_ =	shalt  }
0x72: {  	_ =	shalt  }
0x73: {  	_ =	shalt  }
0x74: {  	_ =	shalt  }
0x75: {  	_ =	shalt  }
0x76: {  	_ =	shalt  }
0x77: {  	_ =	shalt  }
0x78: {  	_ =	shalt  }
0x79: {  	_ =	shalt  }
0x7a: {  	_ =	shalt  }
0x7b: {  	_ =	shalt  }
0x7c: {  	_ =	shalt  }
0x7d: {  	_ =	shalt  }
0x7e: {  	_ =	shalt  }
0x7f: {  	_ =	shalt  }
0x80: {  	_ =	shalt  }
0x81: {  	_ =	shalt  }
0x82: {  	_ =	shalt  }
0x83: {  	_ =	shalt  }
0x84: {  	_ =	shalt  }
0x85: {  	_ =	shalt  }
0x86: {  	_ =	shalt  }
0x87: {  	_ =	shalt  }
.Lfunc_end0:
.L_simem_size_0:
called_computation_lowered:
.L_overlay_start_0:
0x88: {  	s0 =	sld [smem:$0x3FD9]  }
0x89: {  	s1 =	sld [smem:$0x3FFE];
	_ =	sdelay $0x3  }
0x8a: {  	s0 =	sadd.s32 s1, s0  }
0x8b: {  	[smem:$0x3FC6] =	sst s0  }
0x8c: {  	_ = 	snop  }
0x8d: {  	s0 =	sld [smem:$0x3FD0];
	(tm) =	ssettm $0x1  }
0x8e: {  	s16 =	sld [smem:$0x3FFB];
	_ =	sdelay $0x3  }
0x8f: {  	_ =	strace s16  }
0x90: {  	s1 =	sld [smem:$0x3FFC];
	_ =	sdelay $0x3  }
0x91: {  	_ =	strace s1  }
0x92: {  	s1 =	sld [smem:$0x3FFD];
	_ =	sdelay $0x3  }
0x93: {  	_ =	strace s1  }
0x94: {  	_ =	strace $0x8FFFFFFF  }
0x95: {  	s17 =	sld [smem:$0x3FDB];
	_ =	sdelay $0x1  }
0x96: {  	s2 =	simm.s32 $_scs_section_size  }
0x97: {  	s3 =	simm.s32 $_size__tile_overlayer_lowered;
	s4 =	simm.s32 $_tile_overlayer_lowered  }
0x98: {  	s20 =	simm.s32 $0x1BFF;
	s19 =	sshll.u32 s4, $0x1;
	s1 =	sadd.s32 s2, s17  }
0x99: {  	s5 =	simm.s32 $0x0;
	s18 =	sshll.u32 s3, $0x1;
	s3 =	sadd.s32 s19, s1  }
0x9a: {  	[timem:s5], [sflag:s20] =	dma.local [hbm:s3], s18  }
0x9b: {  	_ =	swait.ge [sflag:s20], s18  }
0x9c: {  	s2 =	ssub.s32 $0x0, s18;
	[sflag:s20] =	ssyncset.done $0x0  }
0x9d: {  	[sflag:s20] =	ssyncadd.s32 s2;
	_ =	sdelay $0x1  }
0x9e: {  	s21 =	simm.s32 $0x1B8B  }
0x9f: {  	_ =	swait.ge [sflag:s21], $0x1  }
0xa0: {  	[sflag:s21] =	ssyncset.done $0x0  }
0xa1: {  	s23 =	simm.s32 $0x1B8E;
	s22 =	sld [smem:$0x3FFE];
	[sflag:s21] =	ssyncadd.s32 $0xFFFFFFFF  }
0xa2: {  	s24 =	simm.s32 $execute0_lowered;
	[smem:$0x3FD2] =	sst s23  }
0xa3: {  	s3 =	sshll.u32 s24, $0x1;
	_ =	strace $0x80000046;
	[dreg:$0x1] =	wrdreg $0xFFFFFFFF  }
0xa4: {  	s25 =	simm.s32 $_size_execute0_lowered;
	s1 =	sadd.s32 s1, s3;
	[dreg:$0x0] =	wrdreg $0x0  }
0xa5: {  	s3 =	sshll.u32 s25, $0x1;
	[dreg:$0x2] =	wrdreg s1  }
0xa6: {  	[dreg:$0x3] =	wrdreg s3  }
0xa7: {  	[dreg:$0x4] =	wrdreg $0xC0  }
0xa8: {  	_ =	task [dreg:s5], $0x5FFFF  }
0xa9: {  	[dreg:$0x1] =	wrdreg $0xFFFFFFFF  }
0xaa: {  	[dreg:$0x0] =	wrdreg $0x60  }
0xab: {  	[dreg:$0x2] =	wrdreg s22  }
0xac: {  	[dreg:$0x3] =	wrdreg s0  }
0xad: {  	[dreg:$0x4] =	wrdreg $0x9  }
0xae: {  	_ =	task.clear_ibuf [dreg:s5], $0x5FFFF;
	_ =	strace $0x90000046  }
0xaf: {  	s26 =	simm.s32 $0x9;
	_ =	strace $0x80000048  }
0xb0: {  	_ =	swait.ge [sflag:s26], $0x1  }
0xb1: {  	[sflag:s26] =	ssyncadd.s32 $0xFFFFFFFF  }
0xb2: {  	_ =	strace $0x90000048  }
0xb3: {  	_ =	sfence  }
0xb4: {  	s28 =	sld [smem:$0x0];
	_ =	sdelay $0x1  }
0xb5: {  	s29 =	srdreg.scid  }
0xb6: {  	s30 =	sshll.u32 s29, $0xD;
	s31 =	sshrl.u32 s29, $0x2  }
0xb7: {  	s2 =	sand.u32 $0x4000, s30;
	s1 =	sand.u32 $0x1, s29;
	s0 =	sadd.s32 s31, s28  }
0xb8: {  	s1 =	sor.u32 s2, s1;
	s0 =	sshll.u32 s0, $0x11  }
0xb9: {  	s0 =	sor.u32 s0, s1  }
0xba: {  	s0 =	sadd.s32 $0x8F2B, s0  }
0xbb: {  	[sflag:s0] =	ssyncadd.remote.s32 $0x1  }
0xbc: {  	_ =	sfence.sel $0xFFFF  }
0xbd: {  	[dreg:$0x0] =	wrdreg $0xFFFFFFFF;
	(pc) =	sbr.abs _section_cstart, $3  }
0xbe: {  	[dreg:$0x1] =	wrdreg $0xFFFFFFFF  }
0xbf: {  	_ =	task.clear_ibuf [dreg:s5], $0x2FFFF;
	_ =	strace $0x9FFFFFFF  }
0xc0: {  	(tm) =	ssettm $0x7FFFFFFF  }
0xc1: {  	_ =	shalt  }
tec
execute0_lowered:
.L_overlay_start_1:
0x0: {  	(tag) =	ssettag $0x1  }
0x1: {  	s2 =	rddreg [dreg:$0x0]  }
0x2: {  	s3 =	rddreg [dreg:$0x1];
	s1 =	stileid.u32  }
0x3: {  	s0 =	rddreg [dreg:$0x2];
	s4 =	simm.s32 $0x0;
	s5 =	sshll.u32 s1, $0x5  }
0x4: {  	[smem:$0x7FF] =	sst s4;
	s5 =	sadd.s32 s5, s2  }
0x5: {  	s17 =	simm.s32 $0x2;
	_ =	strace $0x80000047;
	s5 =	sadd.s32 $0x800, s5  }
0x6: {  	[tilespmem:s4], [sflag:$0x2] =	stream.linear.gather [hbm4b:s5+s4], $0x100, $0x38;
	[tilespmem:$0x2100] =	vst v63  }
0x7: {  	_ =	swait.ge [sflag:s17], $0x100  }
0x8: {  	[sflag:s17] =	ssyncset.done $0x0  }
0x9: {  	s6 =	simm.s32 $0x20;
	s7 =	simm.s32 $0x100;
	[sflag:s17] =	ssyncadd.s32 $0xFFFFFF00  }
0xa: {  	[tilespmem:s7], [sflag:$0x1] =	stream.indirect.gather [hbm4b:s3+s6], $0x20, s4, s6, $0xb8;
	[tilespmem:$0x2100] =	vst v63  }
0xb: {  	s8 =	simm.s32 $0x500  }
0xc: {  	[tilespmem:s8], [sflag:$0x1] =	stream.indirect.gather [hbm4b:s3+s6], $0x20, s6, s6, $0xb8;
	[tilespmem:$0x2100] =	vst v63  }
0xd: {  	s18 =	simm.s32 $0x40;
	s9 =	simm.s32 $0x900  }
0xe: {  	[tilespmem:s9], [sflag:$0x1] =	stream.indirect.gather [hbm4b:s3+s6], $0x20, s18, s6, $0xb8;
	[tilespmem:$0x2100] =	vst v63  }
0xf: {  	s19 =	simm.s32 $0x60;
	s20 =	simm.s32 $0xD00  }
0x10: {  	[tilespmem:s20], [sflag:$0x1] =	stream.indirect.gather [hbm4b:s3+s6], $0x20, s19, s6, $0xb8;
	[tilespmem:$0x2100] =	vst v63  }
0x11: {  	s21 =	simm.s32 $0x80;
	s22 =	simm.s32 $0x1100  }
0x12: {  	[tilespmem:s22], [sflag:$0x1] =	stream.indirect.gather [hbm4b:s3+s6], $0x20, s21, s6, $0xb8;
	[tilespmem:$0x2100] =	vst v63  }
0x13: {  	s23 =	simm.s32 $0xA0;
	s24 =	simm.s32 $0x1500  }
0x14: {  	[tilespmem:s24], [sflag:$0x1] =	stream.indirect.gather [hbm4b:s3+s6], $0x20, s23, s6, $0xb8;
	[tilespmem:$0x2100] =	vst v63  }
0x15: {  	s25 =	simm.s32 $0xC0;
	s26 =	simm.s32 $0x1900  }
0x16: {  	[tilespmem:s26], [sflag:$0x1] =	stream.indirect.gather [hbm4b:s3+s6], $0x20, s25, s6, $0xb8;
	[tilespmem:$0x2100] =	vst v63  }
0x17: {  	s28 =	simm.s32 $0xE0;
	s29 =	simm.s32 $0x1D00;
	s30 =	simm.s32 $0x1  }
0x18: {  	[tilespmem:s29], [sflag:$0x1] =	stream.indirect.gather [hbm4b:s3+s6], $0x20, s28, s6, $0xb8;
	[tilespmem:$0x2100] =	vst v63  }
0x19: {  	_ =	swait.ge [sflag:s30], $0x400  }
0x1a: {  	[sflag:s30] =	ssyncset.done $0x0  }
0x1b: {  	[sflag:s30] =	ssyncadd.s32 $0xFFFFFC00  }
0x1c: {  	_ =	swait.ge [sflag:s30], $0x400  }
0x1d: {  	[sflag:s30] =	ssyncset.done $0x0  }
0x1e: {  	[sflag:s30] =	ssyncadd.s32 $0xFFFFFC00  }
0x1f: {  	_ =	swait.ge [sflag:s30], $0x400  }
0x20: {  	[sflag:s30] =	ssyncset.done $0x0  }
0x21: {  	[sflag:s30] =	ssyncadd.s32 $0xFFFFFC00  }
0x22: {  	_ =	swait.ge [sflag:s30], $0x400  }
0x23: {  	[sflag:s30] =	ssyncset.done $0x0  }
0x24: {  	[sflag:s30] =	ssyncadd.s32 $0xFFFFFC00  }
0x25: {  	_ =	swait.ge [sflag:s30], $0x400  }
0x26: {  	[sflag:s30] =	ssyncset.done $0x0  }
0x27: {  	[sflag:s30] =	ssyncadd.s32 $0xFFFFFC00  }
0x28: {  	_ =	swait.ge [sflag:s30], $0x400  }
0x29: {  	[sflag:s30] =	ssyncset.done $0x0  }
0x2a: {  	[sflag:s30] =	ssyncadd.s32 $0xFFFFFC00  }
0x2b: {  	_ =	swait.ge [sflag:s30], $0x400  }
0x2c: {  	[sflag:s30] =	ssyncset.done $0x0  }
0x2d: {  	[sflag:s30] =	ssyncadd.s32 $0xFFFFFC00  }
0x2e: {  	s31 =	sshll.u32 s1, $0xA;
	_ =	swait.ge [sflag:s30], $0x400  }
0x2f: {  	s2 =	sadd.s32 s31, s2;
	[sflag:s30] =	ssyncset.done $0x0  }
0x30: {  	s2 =	sadd.s32 $0xA00, s2;
	[sflag:s30] =	ssyncadd.s32 $0xFFFFFC00  }
0x31: {  	[hbm4b:s2+s4] =	stream.linear.scatter [tilespmem:s7], [sflag:$0x2], $0x2000, $0x38;
	[tilespmem:$0x2100] =	vst v63  }
0x32: {  	_ =	swait.ge [sflag:s17], $0x2000  }
0x33: {  	[sflag:s17] =	ssyncset.done $0x0  }
0x34: {  	[sflag:s17] =	ssyncadd.s32 $0xFFFFE000  }
0x35: {  	_ =	sfence.sel $0x180000  }
0x36: {  	[bflag:$0x0] =	sbarrier.arrive $0xFFFF  }
0x37: {  	p0 =	sne.s32 s1, $0x0;
	_ =	strace $0x90000047  }
0x38: {  	s0 =	sadd.s32 @!p0 $0x100000, s0;
	[bflag:$0x2] =	sbarrier.arrive $0xFFFF  }
0x39: {  	[sflag:s0] =	ssyncadd.tile.s32 @!p0 $0x1;
	_ =	shalt  }
.Lfunc_end2:
_tile_overlayer_lowered:
.L_overlay_start_2:
0x3a: {  	(tag) =	ssettag $0x2  }
0x3b: {  	s0 =	rddreg [dreg:$0x0];
	s2 =	stileid.u32  }
0x3c: {  	s1 =	rddreg [dreg:$0x1];
	p0 =	sne.s32 s2, $0x0  }
0x3d: {  	s3 =	rddreg [dreg:$0x2];
	[bflag:$0x3] =	sbarrier.arrive $0xFFFF;
	s2 =	simm.s32 @!p0 $0x1C02  }
0x3e: {  	[timem:s3], [sflag:s2] =	dma.local @!p0 [hbm:s0], s1  }
0x3f: {  	s0 =	simm.s32 @!p0 $0x2  }
0x40: {  	_ =	swait.ge @!p0 [sflag:s0], s1  }
0x41: {  	s1 =	ssub.s32 @!p0 $0x0, s1;
	[sflag:s0] =	ssyncset.done @!p0 $0x0  }
0x42: {  	[sflag:s0] =	ssyncadd.s32 @!p0 s1  }
0x43: {  	[bflag:$0x3] =	sbarrier.arrive $0xFFFF  }
0x44: {  	_ =	shalt  }

</sc_bundles>
